<compile_context>
chip_gen: v7x
topology: tpu7x:2x2x1
jax: 0.10.2.dev20260603
libtpu: 0.0.44.dev20260713+nightly
codegen_flags: <defaults>
</compile_context>

<pallas_src>
import functools
import math

import numpy as np
import jax
import jax.numpy as jnp
from jax import lax
from jax.experimental import pallas as pl
from jax.experimental.pallas import tpu as pltpu
from jax.experimental.pallas import tpu_sc as plsc

D_MODEL = 256
NUM_CODES = 1024
N_ROWS = 256

def _build_pe_np():
    position = np.arange(N_ROWS).reshape(-1, 1).astype(np.float32)
    div_term = np.exp(
        np.arange(0, D_MODEL, 2).astype(np.float32) * (-math.log(10000.0) / D_MODEL)
    )
    pe = np.zeros((N_ROWS, D_MODEL), dtype=np.float32)
    pe[:, 0::2] = np.sin(position * div_term)
    pe[:, 1::2] = np.cos(position * div_term)
    return pe

_PE = _build_pe_np()



def _argmin_body(x_ref, cb_ref, idx_ref):
    x = x_ref[...]
    cb = cb_ref[...]
    prod = lax.dot_general(
        cb, x, (((1,), (1,)), ((), ())),
        preferred_element_type=jnp.float32,
        precision=lax.Precision.HIGHEST,
    )
    cbn = jnp.sum(cb * cb, axis=1, keepdims=True)
    scores = cbn - 2.0 * prod
    m = jnp.min(scores, axis=0, keepdims=True)
    iota = lax.broadcasted_iota(jnp.int32, scores.shape, 0)
    idx_ref[...] = jnp.min(
        jnp.where(scores == m, iota, jnp.int32(NUM_CODES)),
        axis=0, keepdims=True,
    )


def _compute_indices(x, cb):
    return pl.pallas_call(
        _argmin_body,
        out_shape=jax.ShapeDtypeStruct((1, N_ROWS), jnp.int32),
    )(x, cb)



_NC = 2
_NS = 16
_L = 16
_NW = _NC * _NS
_BPW = N_ROWS // _NW

@functools.lru_cache(maxsize=None)
def _make_gather_pe():
    mesh = plsc.VectorSubcoreMesh(
        core_axis_name="c", subcore_axis_name="s", num_cores=_NC
    )
    return functools.partial(
        pl.kernel,
        mesh=mesh,
        out_type=jax.ShapeDtypeStruct((N_ROWS, D_MODEL), jnp.float32),
        scratch_types=[
            pltpu.VMEM((_BPW,), jnp.int32),
            pltpu.VMEM((_BPW, D_MODEL), jnp.float32),
            pltpu.VMEM((_BPW, D_MODEL), jnp.float32),
            pltpu.SemaphoreType.DMA,
            pltpu.SemaphoreType.DMA,
        ],
    )(_gather_pe_body)


def _gather_pe_body(
    table_hbm, idx_hbm, pe_hbm, out_hbm, idx_v, rows_v, pe_v, sem, sem2
):
    wid = lax.axis_index("s") * _NC + lax.axis_index("c")
    base = wid * _BPW
    p = pltpu.async_copy(pe_hbm.at[pl.ds(base, _BPW)], pe_v, sem2)
    pltpu.sync_copy(idx_hbm.at[0, pl.ds(base, _BPW)], idx_v)
    g = pltpu.async_copy(table_hbm.at[idx_v], rows_v, sem)
    p.wait()
    g.wait()
    def _add_row(r):
        def body(j, carry):
            sl = pl.ds(j * _L, _L)
            rows_v[r, sl] = rows_v[r, sl] + pe_v[r, sl]
            return carry
        lax.fori_loop(0, D_MODEL // _L, body, 0)

    for r in range(_BPW):
        _add_row(r)
    pltpu.sync_copy(rows_v, out_hbm.at[pl.ds(base, _BPW)])


def kernel(x, aq_embed, codebook):
    idx = _compute_indices(x, codebook)
    pe = jnp.asarray(_PE)
    return _make_gather_pe()(aq_embed, idx, pe)

# --- scband reference (transcript-rebuilt; emitter-appended) ---
"""Pipeline reference for scband-speaking-encoder-40003325395700 (READ-ONLY COPY).

The authoritative reference and input builder live on the scoring server;
editing this copy changes nothing except your own understanding.
"""

import jax, jax.numpy as jnp
import numpy as np
import math

D_MODEL = 256
NUM_AUDIO_TOKENS = 1024
MAX_LEN = 5000

def _build_pe():
    position = jnp.arange(MAX_LEN).reshape(-1, 1).astype(jnp.float32)
    div_term = jnp.exp(jnp.arange(0, D_MODEL, 2).astype(jnp.float32) * (-math.log(10000.0) / D_MODEL))
    pe = jnp.zeros((MAX_LEN, D_MODEL), dtype=jnp.float32)
    pe = pe.at[:, 0::2].set(jnp.sin(position * div_term))
    pe = pe.at[:, 1::2].set(jnp.cos(position * div_term))
    return pe

def setup_inputs(seed: int = 0) -> dict:
    key = jax.random.key(seed)
    k1, k2, k3 = jax.random.split(key, 3)
    # Float (audio feature) input: N must equal d_model so the PositionalEncoding
    # broadcast pe[:x.shape[1], :] -> [d_model, d_model] is compatible with [N, d_model].
    x = jax.random.normal(k1, (256, D_MODEL), dtype=jnp.float32)
    # AudioQuantizer.embedding table (nn.Embed(num_tokens, d_model))
    aq_embed = jax.random.normal(k2, (NUM_AUDIO_TOKENS, D_MODEL), dtype=jnp.float32) * 0.02
    # AudioQuantizer.codebook param (nn.initializers.normal(), stddev=0.01)
    codebook = jax.random.normal(k3, (NUM_AUDIO_TOKENS, D_MODEL), dtype=jnp.float32) * 0.01
    return {"x": x, "aq_embed": aq_embed, "codebook": codebook}

def reference(x, aq_embed, codebook):
    # AudioQuantizer.__call__ (float-dtype branch of SpeakingEncoder.__call__)
    distances = jnp.linalg.norm(x[:, None, :] - codebook[None, :, :], axis=-1)  # [N, K]
    indices = jnp.argmin(distances, axis=-1)                                    # [N]
    out = jnp.take(aq_embed, indices, axis=0)                                   # [N, d_model]
    # PositionalEncoding.__call__
    pe = _build_pe()
    out = out + pe[:out.shape[1], :]
    return out

if __name__ == "__main__":
    import jax
    _d = setup_inputs()
    print(jax.jit(kernel)(*tuple(_d.values())))

</pallas_src>

<mosaic_0001>
#map = affine_map<(d0, d1) -> (0, 0)>
module attributes {stable_mosaic.version = 14 : i64} {
  func.func @_gather_pe_body(%arg0: i32, %arg1: i32, %arg2: memref<1024x256xf32, #tpu.memory_space<hbm>>, %arg3: memref<1x256xi32, #tpu.memory_space<hbm>>, %arg4: memref<256x256xf32, #tpu.memory_space<hbm>>, %arg5: memref<256x256xf32, #tpu.memory_space<hbm>>, %arg6: memref<8xi32, #tpu.memory_space<vmem>>, %arg7: memref<8x256xf32, #tpu.memory_space<vmem>>, %arg8: memref<8x256xf32, #tpu.memory_space<vmem>>, %arg9: memref<!tpu.dma_semaphore, #tpu.memory_space<semaphore_mem>>, %arg10: memref<!tpu.dma_semaphore, #tpu.memory_space<semaphore_mem>>) attributes {dimension_semantics = [#tpu.dimension_semantics<core_parallel>, #tpu.dimension_semantics<subcore_parallel>], iteration_bounds = array<i64: 2, 16>, scalar_prefetch = 0 : i64, scratch_operands = 5 : i64, tpu.core_type = #tpu.core_type<sc_vector_subcore>, window_params = [{transform_indices = #map}, {transform_indices = #map}, {transform_indices = #map}, {transform_indices = #map}]} {
    %mul3A = arith.constant 2 : i32
    %mul3A_0 = arith.muli %arg1, %mul3A : i32
    %add3A = arith.addi %mul3A_0, %arg0 : i32
    %mul3A_1 = arith.constant 8 : i32
    %mul3A_2 = arith.muli %add3A, %mul3A_1 : i32
    %dma_start3A = arith.constant 0 : i32
    %dma_start3A_3 = tpu.memref_slice %arg4[%mul3A_2, %dma_start3A] : memref<256x256xf32, #tpu.memory_space<hbm>> -> memref<8x256xf32, #tpu.memory_space<hbm>>
    %dma_start3A_4 = arith.constant 0 : i32
    %dma_start3A_5 = tpu.memref_slice %arg4[%mul3A_2, %dma_start3A_4] : memref<256x256xf32, #tpu.memory_space<hbm>> -> memref<8x256xf32, #tpu.memory_space<hbm>>
    tpu.enqueue_dma source(%dma_start3A_5 : memref<8x256xf32, #tpu.memory_space<hbm>>) target(%arg8 : memref<8x256xf32, #tpu.memory_space<vmem>>) target_semaphore(%arg10 : memref<!tpu.dma_semaphore, #tpu.memory_space<semaphore_mem>>)
    %run_scoped3A = arith.constant 0 : i32
    "tpu.region"() ({
      %run_scoped3A_62 = tpu.sem_alloc : memref<!tpu.dma_semaphore, #tpu.memory_space<semaphore_mem>>
      %dma_start3A_63 = tpu.memref_slice %arg3[%run_scoped3A, %mul3A_2] : memref<1x256xi32, #tpu.memory_space<hbm>> -> memref<1x8xi32, #tpu.memory_space<hbm>>
      %dma_start3A_64 = tpu.memref_squeeze %dma_start3A_63 : memref<1x8xi32, #tpu.memory_space<hbm>> -> memref<8xi32, #tpu.memory_space<hbm>>
      %dma_start3A_65 = tpu.memref_slice %arg3[%run_scoped3A, %mul3A_2] : memref<1x256xi32, #tpu.memory_space<hbm>> -> memref<1x8xi32, #tpu.memory_space<hbm>>
      %dma_start3A_66 = tpu.memref_squeeze %dma_start3A_65 : memref<1x8xi32, #tpu.memory_space<hbm>> -> memref<8xi32, #tpu.memory_space<hbm>>
      tpu.enqueue_dma source(%dma_start3A_66 : memref<8xi32, #tpu.memory_space<hbm>>) target(%arg6 : memref<8xi32, #tpu.memory_space<vmem>>) target_semaphore(%run_scoped3A_62 : memref<!tpu.dma_semaphore, #tpu.memory_space<semaphore_mem>>)
      %dma_wait3A_67 = tpu.memref_slice %arg3[%run_scoped3A, %mul3A_2] : memref<1x256xi32, #tpu.memory_space<hbm>> -> memref<1x8xi32, #tpu.memory_space<hbm>>
      %dma_wait3A_68 = tpu.memref_squeeze %dma_wait3A_67 : memref<1x8xi32, #tpu.memory_space<hbm>> -> memref<8xi32, #tpu.memory_space<hbm>>
      %dma_wait3A_69 = tpu.memref_slice %arg3[%run_scoped3A, %mul3A_2] : memref<1x256xi32, #tpu.memory_space<hbm>> -> memref<1x8xi32, #tpu.memory_space<hbm>>
      %dma_wait3A_70 = tpu.memref_squeeze %dma_wait3A_69 : memref<1x8xi32, #tpu.memory_space<hbm>> -> memref<8xi32, #tpu.memory_space<hbm>>
      tpu.wait_dma2 semaphore(%run_scoped3A_62 : memref<!tpu.dma_semaphore, #tpu.memory_space<semaphore_mem>>) src(%dma_wait3A_70 : memref<8xi32, #tpu.memory_space<hbm>>) dst(%arg6 : memref<8xi32, #tpu.memory_space<vmem>>)
      tpu.yield
    }) : () -> ()
    %dma_start3A_6 = arith.constant 0 : i32
    %dma_start3A_7 = arith.constant 0 : i32
    %dma_start3A_8 = tpu.memref_slice %arg2[%dma_start3A_6, %dma_start3A_7] : memref<1024x256xf32, #tpu.memory_space<hbm>> -> memref<1024x256xf32, #tpu.memory_space<hbm>>
    tpu.enqueue_indirect_dma source(%dma_start3A_8 : memref<1024x256xf32, #tpu.memory_space<hbm>>) target(%arg7 : memref<8x256xf32, #tpu.memory_space<vmem>>) offsets(%arg6 : memref<8xi32, #tpu.memory_space<vmem>>) semaphore(%arg9 : memref<!tpu.dma_semaphore, #tpu.memory_space<semaphore_mem>>)
    %dma_wait3A = arith.constant 0 : i32
    %dma_wait3A_9 = tpu.memref_slice %arg4[%mul3A_2, %dma_wait3A] : memref<256x256xf32, #tpu.memory_space<hbm>> -> memref<8x256xf32, #tpu.memory_space<hbm>>
    %dma_wait3A_10 = arith.constant 0 : i32
    %dma_wait3A_11 = tpu.memref_slice %arg4[%mul3A_2, %dma_wait3A_10] : memref<256x256xf32, #tpu.memory_space<hbm>> -> memref<8x256xf32, #tpu.memory_space<hbm>>
    tpu.wait_dma2 semaphore(%arg10 : memref<!tpu.dma_semaphore, #tpu.memory_space<semaphore_mem>>) src(%dma_wait3A_11 : memref<8x256xf32, #tpu.memory_space<hbm>>) dst(%arg8 : memref<8x256xf32, #tpu.memory_space<vmem>>)
    %dma_wait3A_12 = arith.constant 0 : i32
    %dma_wait3A_13 = arith.constant 0 : i32
    %dma_wait3A_14 = tpu.memref_slice %arg2[%dma_wait3A_12, %dma_wait3A_13] : memref<1024x256xf32, #tpu.memory_space<hbm>> -> memref<1024x256xf32, #tpu.memory_space<hbm>>
    tpu.wait_indirect_dma semaphore(%arg9 : memref<!tpu.dma_semaphore, #tpu.memory_space<semaphore_mem>>) src(%dma_wait3A_14 : memref<1024x256xf32, #tpu.memory_space<hbm>>) dst(%arg7 : memref<8x256xf32, #tpu.memory_space<vmem>>)
    %scan3A = arith.constant 0 : i32
    %scan3A_15 = arith.constant 0 : i32
    %scan3A_16 = arith.constant 16 : i32
    %scan3A_17 = arith.addi %scan3A_15, %scan3A_16 : i32
    %scan3A_18 = arith.constant 1 : i32
    scf.for %scan3A_62 = %scan3A_15 to %scan3A_17 step %scan3A_18  : i32 {
      %mul3A_63 = arith.constant 16 : i32
      %mul3A_64 = arith.muli %scan3A_62, %mul3A_63 : i32
      %get3A = arith.constant 0 : i32
      %get3A_65 = arith.index_cast %get3A : i32 to index
      %get3A_66 = arith.index_cast %mul3A_64 : i32 to index
      %get3A_67 = tpu.vector_load %arg7[%get3A_65, %get3A_66] {strides = array<i32>} : memref<8x256xf32, #tpu.memory_space<vmem>>, vector<1x16xf32>,
      %get3A_68 = vector.shape_cast %get3A_67 : vector<1x16xf32> to vector<16xf32>
      %get3A_69 = arith.constant 0 : i32
      %get3A_70 = arith.index_cast %get3A_69 : i32 to index
      %get3A_71 = arith.index_cast %mul3A_64 : i32 to index
      %get3A_72 = tpu.vector_load %arg8[%get3A_70, %get3A_71] {strides = array<i32>} : memref<8x256xf32, #tpu.memory_space<vmem>>, vector<1x16xf32>,
      %get3A_73 = vector.shape_cast %get3A_72 : vector<1x16xf32> to vector<16xf32>
      %add3A_74 = arith.addf %get3A_68, %get3A_73 : vector<16xf32>
      %swap3A = arith.constant 0 : i32
      %swap3A_75 = arith.index_cast %swap3A : i32 to index
      %swap3A_76 = arith.index_cast %mul3A_64 : i32 to index
      %swap3A_77 = tpu.vector_load %arg7[%swap3A_75, %swap3A_76] {strides = array<i32>} : memref<8x256xf32, #tpu.memory_space<vmem>>, vector<1x16xf32>,
      %swap3A_78 = vector.shape_cast %swap3A_77 : vector<1x16xf32> to vector<16xf32>
      %swap3A_79 = vector.shape_cast %add3A_74 : vector<16xf32> to vector<1x16xf32>
      tpu.vector_store %arg7[%swap3A_75, %swap3A_76], %swap3A_79 {strides = array<i32>} : memref<8x256xf32, #tpu.memory_space<vmem>>, vector<1x16xf32>,
    }
    %scan3A_19 = arith.constant 16 : i32
    %scan3A_20 = arith.constant 0 : i32
    %scan3A_21 = arith.constant 0 : i32
    %scan3A_22 = arith.constant 16 : i32
    %scan3A_23 = arith.addi %scan3A_21, %scan3A_22 : i32
    %scan3A_24 = arith.constant 1 : i32
    scf.for %scan3A_62 = %scan3A_21 to %scan3A_23 step %scan3A_24  : i32 {
      %mul3A_63 = arith.constant 16 : i32
      %mul3A_64 = arith.muli %scan3A_62, %mul3A_63 : i32
      %get3A = arith.constant 1 : i32
      %get3A_65 = arith.index_cast %get3A : i32 to index
      %get3A_66 = arith.index_cast %mul3A_64 : i32 to index
      %get3A_67 = tpu.vector_load %arg7[%get3A_65, %get3A_66] {strides = array<i32>} : memref<8x256xf32, #tpu.memory_space<vmem>>, vector<1x16xf32>,
      %get3A_68 = vector.shape_cast %get3A_67 : vector<1x16xf32> to vector<16xf32>
      %get3A_69 = arith.constant 1 : i32
      %get3A_70 = arith.index_cast %get3A_69 : i32 to index
      %get3A_71 = arith.index_cast %mul3A_64 : i32 to index
      %get3A_72 = tpu.vector_load %arg8[%get3A_70, %get3A_71] {strides = array<i32>} : memref<8x256xf32, #tpu.memory_space<vmem>>, vector<1x16xf32>,
      %get3A_73 = vector.shape_cast %get3A_72 : vector<1x16xf32> to vector<16xf32>
      %add3A_74 = arith.addf %get3A_68, %get3A_73 : vector<16xf32>
      %swap3A = arith.constant 1 : i32
      %swap3A_75 = arith.index_cast %swap3A : i32 to index
      %swap3A_76 = arith.index_cast %mul3A_64 : i32 to index
      %swap3A_77 = tpu.vector_load %arg7[%swap3A_75, %swap3A_76] {strides = array<i32>} : memref<8x256xf32, #tpu.memory_space<vmem>>, vector<1x16xf32>,
      %swap3A_78 = vector.shape_cast %swap3A_77 : vector<1x16xf32> to vector<16xf32>
      %swap3A_79 = vector.shape_cast %add3A_74 : vector<16xf32> to vector<1x16xf32>
      tpu.vector_store %arg7[%swap3A_75, %swap3A_76], %swap3A_79 {strides = array<i32>} : memref<8x256xf32, #tpu.memory_space<vmem>>, vector<1x16xf32>,
    }
    %scan3A_25 = arith.constant 16 : i32
    %scan3A_26 = arith.constant 0 : i32
    %scan3A_27 = arith.constant 0 : i32
    %scan3A_28 = arith.constant 16 : i32
    %scan3A_29 = arith.addi %scan3A_27, %scan3A_28 : i32
    %scan3A_30 = arith.constant 1 : i32
    scf.for %scan3A_62 = %scan3A_27 to %scan3A_29 step %scan3A_30  : i32 {
      %mul3A_63 = arith.constant 16 : i32
      %mul3A_64 = arith.muli %scan3A_62, %mul3A_63 : i32
      %get3A = arith.constant 2 : i32
      %get3A_65 = arith.index_cast %get3A : i32 to index
      %get3A_66 = arith.index_cast %mul3A_64 : i32 to index
      %get3A_67 = tpu.vector_load %arg7[%get3A_65, %get3A_66] {strides = array<i32>} : memref<8x256xf32, #tpu.memory_space<vmem>>, vector<1x16xf32>,
      %get3A_68 = vector.shape_cast %get3A_67 : vector<1x16xf32> to vector<16xf32>
      %get3A_69 = arith.constant 2 : i32
      %get3A_70 = arith.index_cast %get3A_69 : i32 to index
      %get3A_71 = arith.index_cast %mul3A_64 : i32 to index
      %get3A_72 = tpu.vector_load %arg8[%get3A_70, %get3A_71] {strides = array<i32>} : memref<8x256xf32, #tpu.memory_space<vmem>>, vector<1x16xf32>,
      %get3A_73 = vector.shape_cast %get3A_72 : vector<1x16xf32> to vector<16xf32>
      %add3A_74 = arith.addf %get3A_68, %get3A_73 : vector<16xf32>
      %swap3A = arith.constant 2 : i32
      %swap3A_75 = arith.index_cast %swap3A : i32 to index
      %swap3A_76 = arith.index_cast %mul3A_64 : i32 to index
      %swap3A_77 = tpu.vector_load %arg7[%swap3A_75, %swap3A_76] {strides = array<i32>} : memref<8x256xf32, #tpu.memory_space<vmem>>, vector<1x16xf32>,
      %swap3A_78 = vector.shape_cast %swap3A_77 : vector<1x16xf32> to vector<16xf32>
      %swap3A_79 = vector.shape_cast %add3A_74 : vector<16xf32> to vector<1x16xf32>
      tpu.vector_store %arg7[%swap3A_75, %swap3A_76], %swap3A_79 {strides = array<i32>} : memref<8x256xf32, #tpu.memory_space<vmem>>, vector<1x16xf32>,
    }
    %scan3A_31 = arith.constant 16 : i32
    %scan3A_32 = arith.constant 0 : i32
    %scan3A_33 = arith.constant 0 : i32
    %scan3A_34 = arith.constant 16 : i32
    %scan3A_35 = arith.addi %scan3A_33, %scan3A_34 : i32
    %scan3A_36 = arith.constant 1 : i32
    scf.for %scan3A_62 = %scan3A_33 to %scan3A_35 step %scan3A_36  : i32 {
      %mul3A_63 = arith.constant 16 : i32
      %mul3A_64 = arith.muli %scan3A_62, %mul3A_63 : i32
      %get3A = arith.constant 3 : i32
      %get3A_65 = arith.index_cast %get3A : i32 to index
      %get3A_66 = arith.index_cast %mul3A_64 : i32 to index
      %get3A_67 = tpu.vector_load %arg7[%get3A_65, %get3A_66] {strides = array<i32>} : memref<8x256xf32, #tpu.memory_space<vmem>>, vector<1x16xf32>,
      %get3A_68 = vector.shape_cast %get3A_67 : vector<1x16xf32> to vector<16xf32>
      %get3A_69 = arith.constant 3 : i32
      %get3A_70 = arith.index_cast %get3A_69 : i32 to index
      %get3A_71 = arith.index_cast %mul3A_64 : i32 to index
      %get3A_72 = tpu.vector_load %arg8[%get3A_70, %get3A_71] {strides = array<i32>} : memref<8x256xf32, #tpu.memory_space<vmem>>, vector<1x16xf32>,
      %get3A_73 = vector.shape_cast %get3A_72 : vector<1x16xf32> to vector<16xf32>
      %add3A_74 = arith.addf %get3A_68, %get3A_73 : vector<16xf32>
      %swap3A = arith.constant 3 : i32
      %swap3A_75 = arith.index_cast %swap3A : i32 to index
      %swap3A_76 = arith.index_cast %mul3A_64 : i32 to index
      %swap3A_77 = tpu.vector_load %arg7[%swap3A_75, %swap3A_76] {strides = array<i32>} : memref<8x256xf32, #tpu.memory_space<vmem>>, vector<1x16xf32>,
      %swap3A_78 = vector.shape_cast %swap3A_77 : vector<1x16xf32> to vector<16xf32>
      %swap3A_79 = vector.shape_cast %add3A_74 : vector<16xf32> to vector<1x16xf32>
      tpu.vector_store %arg7[%swap3A_75, %swap3A_76], %swap3A_79 {strides = array<i32>} : memref<8x256xf32, #tpu.memory_space<vmem>>, vector<1x16xf32>,
    }
    %scan3A_37 = arith.constant 16 : i32
    %scan3A_38 = arith.constant 0 : i32
    %scan3A_39 = arith.constant 0 : i32
    %scan3A_40 = arith.constant 16 : i32
    %scan3A_41 = arith.addi %scan3A_39, %scan3A_40 : i32
    %scan3A_42 = arith.constant 1 : i32
    scf.for %scan3A_62 = %scan3A_39 to %scan3A_41 step %scan3A_42  : i32 {
      %mul3A_63 = arith.constant 16 : i32
      %mul3A_64 = arith.muli %scan3A_62, %mul3A_63 : i32
      %get3A = arith.constant 4 : i32
      %get3A_65 = arith.index_cast %get3A : i32 to index
      %get3A_66 = arith.index_cast %mul3A_64 : i32 to index
      %get3A_67 = tpu.vector_load %arg7[%get3A_65, %get3A_66] {strides = array<i32>} : memref<8x256xf32, #tpu.memory_space<vmem>>, vector<1x16xf32>,
      %get3A_68 = vector.shape_cast %get3A_67 : vector<1x16xf32> to vector<16xf32>
      %get3A_69 = arith.constant 4 : i32
      %get3A_70 = arith.index_cast %get3A_69 : i32 to index
      %get3A_71 = arith.index_cast %mul3A_64 : i32 to index
      %get3A_72 = tpu.vector_load %arg8[%get3A_70, %get3A_71] {strides = array<i32>} : memref<8x256xf32, #tpu.memory_space<vmem>>, vector<1x16xf32>,
      %get3A_73 = vector.shape_cast %get3A_72 : vector<1x16xf32> to vector<16xf32>
      %add3A_74 = arith.addf %get3A_68, %get3A_73 : vector<16xf32>
      %swap3A = arith.constant 4 : i32
      %swap3A_75 = arith.index_cast %swap3A : i32 to index
      %swap3A_76 = arith.index_cast %mul3A_64 : i32 to index
      %swap3A_77 = tpu.vector_load %arg7[%swap3A_75, %swap3A_76] {strides = array<i32>} : memref<8x256xf32, #tpu.memory_space<vmem>>, vector<1x16xf32>,
      %swap3A_78 = vector.shape_cast %swap3A_77 : vector<1x16xf32> to vector<16xf32>
      %swap3A_79 = vector.shape_cast %add3A_74 : vector<16xf32> to vector<1x16xf32>
      tpu.vector_store %arg7[%swap3A_75, %swap3A_76], %swap3A_79 {strides = array<i32>} : memref<8x256xf32, #tpu.memory_space<vmem>>, vector<1x16xf32>,
    }
    %scan3A_43 = arith.constant 16 : i32
    %scan3A_44 = arith.constant 0 : i32
    %scan3A_45 = arith.constant 0 : i32
    %scan3A_46 = arith.constant 16 : i32
    %scan3A_47 = arith.addi %scan3A_45, %scan3A_46 : i32
    %scan3A_48 = arith.constant 1 : i32
    scf.for %scan3A_62 = %scan3A_45 to %scan3A_47 step %scan3A_48  : i32 {
      %mul3A_63 = arith.constant 16 : i32
      %mul3A_64 = arith.muli %scan3A_62, %mul3A_63 : i32
      %get3A = arith.constant 5 : i32
      %get3A_65 = arith.index_cast %get3A : i32 to index
      %get3A_66 = arith.index_cast %mul3A_64 : i32 to index
      %get3A_67 = tpu.vector_load %arg7[%get3A_65, %get3A_66] {strides = array<i32>} : memref<8x256xf32, #tpu.memory_space<vmem>>, vector<1x16xf32>,
      %get3A_68 = vector.shape_cast %get3A_67 : vector<1x16xf32> to vector<16xf32>
      %get3A_69 = arith.constant 5 : i32
      %get3A_70 = arith.index_cast %get3A_69 : i32 to index
      %get3A_71 = arith.index_cast %mul3A_64 : i32 to index
      %get3A_72 = tpu.vector_load %arg8[%get3A_70, %get3A_71] {strides = array<i32>} : memref<8x256xf32, #tpu.memory_space<vmem>>, vector<1x16xf32>,
      %get3A_73 = vector.shape_cast %get3A_72 : vector<1x16xf32> to vector<16xf32>
      %add3A_74 = arith.addf %get3A_68, %get3A_73 : vector<16xf32>
      %swap3A = arith.constant 5 : i32
      %swap3A_75 = arith.index_cast %swap3A : i32 to index
      %swap3A_76 = arith.index_cast %mul3A_64 : i32 to index
      %swap3A_77 = tpu.vector_load %arg7[%swap3A_75, %swap3A_76] {strides = array<i32>} : memref<8x256xf32, #tpu.memory_space<vmem>>, vector<1x16xf32>,
      %swap3A_78 = vector.shape_cast %swap3A_77 : vector<1x16xf32> to vector<16xf32>
      %swap3A_79 = vector.shape_cast %add3A_74 : vector<16xf32> to vector<1x16xf32>
      tpu.vector_store %arg7[%swap3A_75, %swap3A_76], %swap3A_79 {strides = array<i32>} : memref<8x256xf32, #tpu.memory_space<vmem>>, vector<1x16xf32>,
    }
    %scan3A_49 = arith.constant 16 : i32
    %scan3A_50 = arith.constant 0 : i32
    %scan3A_51 = arith.constant 0 : i32
    %scan3A_52 = arith.constant 16 : i32
    %scan3A_53 = arith.addi %scan3A_51, %scan3A_52 : i32
    %scan3A_54 = arith.constant 1 : i32
    scf.for %scan3A_62 = %scan3A_51 to %scan3A_53 step %scan3A_54  : i32 {
      %mul3A_63 = arith.constant 16 : i32
      %mul3A_64 = arith.muli %scan3A_62, %mul3A_63 : i32
      %get3A = arith.constant 6 : i32
      %get3A_65 = arith.index_cast %get3A : i32 to index
      %get3A_66 = arith.index_cast %mul3A_64 : i32 to index
      %get3A_67 = tpu.vector_load %arg7[%get3A_65, %get3A_66] {strides = array<i32>} : memref<8x256xf32, #tpu.memory_space<vmem>>, vector<1x16xf32>,
      %get3A_68 = vector.shape_cast %get3A_67 : vector<1x16xf32> to vector<16xf32>
      %get3A_69 = arith.constant 6 : i32
      %get3A_70 = arith.index_cast %get3A_69 : i32 to index
      %get3A_71 = arith.index_cast %mul3A_64 : i32 to index
      %get3A_72 = tpu.vector_load %arg8[%get3A_70, %get3A_71] {strides = array<i32>} : memref<8x256xf32, #tpu.memory_space<vmem>>, vector<1x16xf32>,
      %get3A_73 = vector.shape_cast %get3A_72 : vector<1x16xf32> to vector<16xf32>
      %add3A_74 = arith.addf %get3A_68, %get3A_73 : vector<16xf32>
      %swap3A = arith.constant 6 : i32
      %swap3A_75 = arith.index_cast %swap3A : i32 to index
      %swap3A_76 = arith.index_cast %mul3A_64 : i32 to index
      %swap3A_77 = tpu.vector_load %arg7[%swap3A_75, %swap3A_76] {strides = array<i32>} : memref<8x256xf32, #tpu.memory_space<vmem>>, vector<1x16xf32>,
      %swap3A_78 = vector.shape_cast %swap3A_77 : vector<1x16xf32> to vector<16xf32>
      %swap3A_79 = vector.shape_cast %add3A_74 : vector<16xf32> to vector<1x16xf32>
      tpu.vector_store %arg7[%swap3A_75, %swap3A_76], %swap3A_79 {strides = array<i32>} : memref<8x256xf32, #tpu.memory_space<vmem>>, vector<1x16xf32>,
    }
    %scan3A_55 = arith.constant 16 : i32
    %scan3A_56 = arith.constant 0 : i32
    %scan3A_57 = arith.constant 0 : i32
    %scan3A_58 = arith.constant 16 : i32
    %scan3A_59 = arith.addi %scan3A_57, %scan3A_58 : i32
    %scan3A_60 = arith.constant 1 : i32
    scf.for %scan3A_62 = %scan3A_57 to %scan3A_59 step %scan3A_60  : i32 {
      %mul3A_63 = arith.constant 16 : i32
      %mul3A_64 = arith.muli %scan3A_62, %mul3A_63 : i32
      %get3A = arith.constant 7 : i32
      %get3A_65 = arith.index_cast %get3A : i32 to index
      %get3A_66 = arith.index_cast %mul3A_64 : i32 to index
      %get3A_67 = tpu.vector_load %arg7[%get3A_65, %get3A_66] {strides = array<i32>} : memref<8x256xf32, #tpu.memory_space<vmem>>, vector<1x16xf32>,
      %get3A_68 = vector.shape_cast %get3A_67 : vector<1x16xf32> to vector<16xf32>
      %get3A_69 = arith.constant 7 : i32
      %get3A_70 = arith.index_cast %get3A_69 : i32 to index
      %get3A_71 = arith.index_cast %mul3A_64 : i32 to index
      %get3A_72 = tpu.vector_load %arg8[%get3A_70, %get3A_71] {strides = array<i32>} : memref<8x256xf32, #tpu.memory_space<vmem>>, vector<1x16xf32>,
      %get3A_73 = vector.shape_cast %get3A_72 : vector<1x16xf32> to vector<16xf32>
      %add3A_74 = arith.addf %get3A_68, %get3A_73 : vector<16xf32>
      %swap3A = arith.constant 7 : i32
      %swap3A_75 = arith.index_cast %swap3A : i32 to index
      %swap3A_76 = arith.index_cast %mul3A_64 : i32 to index
      %swap3A_77 = tpu.vector_load %arg7[%swap3A_75, %swap3A_76] {strides = array<i32>} : memref<8x256xf32, #tpu.memory_space<vmem>>, vector<1x16xf32>,
      %swap3A_78 = vector.shape_cast %swap3A_77 : vector<1x16xf32> to vector<16xf32>
      %swap3A_79 = vector.shape_cast %add3A_74 : vector<16xf32> to vector<1x16xf32>
      tpu.vector_store %arg7[%swap3A_75, %swap3A_76], %swap3A_79 {strides = array<i32>} : memref<8x256xf32, #tpu.memory_space<vmem>>, vector<1x16xf32>,
    }
    %scan3A_61 = arith.constant 16 : i32
    "tpu.region"() ({
      %run_scoped3A_62 = tpu.sem_alloc : memref<!tpu.dma_semaphore, #tpu.memory_space<semaphore_mem>>
      %dma_start3A_63 = arith.constant 0 : i32
      %dma_start3A_64 = tpu.memref_slice %arg5[%mul3A_2, %dma_start3A_63] : memref<256x256xf32, #tpu.memory_space<hbm>> -> memref<8x256xf32, #tpu.memory_space<hbm>>
      %dma_start3A_65 = arith.constant 0 : i32
      %dma_start3A_66 = tpu.memref_slice %arg5[%mul3A_2, %dma_start3A_65] : memref<256x256xf32, #tpu.memory_space<hbm>> -> memref<8x256xf32, #tpu.memory_space<hbm>>
      tpu.enqueue_dma source(%arg7 : memref<8x256xf32, #tpu.memory_space<vmem>>) target(%dma_start3A_66 : memref<8x256xf32, #tpu.memory_space<hbm>>) target_semaphore(%run_scoped3A_62 : memref<!tpu.dma_semaphore, #tpu.memory_space<semaphore_mem>>)
      %dma_wait3A_67 = arith.constant 0 : i32
      %dma_wait3A_68 = tpu.memref_slice %arg5[%mul3A_2, %dma_wait3A_67] : memref<256x256xf32, #tpu.memory_space<hbm>> -> memref<8x256xf32, #tpu.memory_space<hbm>>
      %dma_wait3A_69 = arith.constant 0 : i32
      %dma_wait3A_70 = tpu.memref_slice %arg5[%mul3A_2, %dma_wait3A_69] : memref<256x256xf32, #tpu.memory_space<hbm>> -> memref<8x256xf32, #tpu.memory_space<hbm>>
      tpu.wait_dma2 semaphore(%run_scoped3A_62 : memref<!tpu.dma_semaphore, #tpu.memory_space<semaphore_mem>>) src(%arg7 : memref<8x256xf32, #tpu.memory_space<vmem>>) dst(%dma_wait3A_70 : memref<8x256xf32, #tpu.memory_space<hbm>>)
      tpu.yield
    }) : () -> ()
    return
  }
}

module attributes {stable_mosaic.version = 14 : i64} {
  func.func @_argmin_body(%arg0: memref<256x256xf32, #tpu.memory_space<vmem>>, %arg1: memref<1024x256xf32, #tpu.memory_space<vmem>>, %arg2: memref<1x256xi32, #tpu.memory_space<vmem>>) attributes {dimension_semantics = [], scalar_prefetch = 0 : i64, scratch_operands = 0 : i64, tpu.core_type = #tpu.core_type<tc>} {
    %get3A = arith.constant 0 : index
    %get3A_0 = arith.constant 0 : index
    %get3A_1 = vector.load %arg0[%get3A, %get3A_0] : memref<256x256xf32, #tpu.memory_space<vmem>>, vector<256x256xf32>
    %get3A_2 = arith.constant 0 : index
    %get3A_3 = arith.constant 0 : index
    %get3A_4 = vector.load %arg1[%get3A_2, %get3A_3] : memref<1024x256xf32, #tpu.memory_space<vmem>>, vector<1024x256xf32>
    %dot_general3A = arith.constant dense<0.000000e+00> : vector<1024x256xf32>
    %dot_general3A_5 = tpu.matmul %get3A_4, %get3A_1, %dot_general3A {dimension_numbers = #tpu.dot_dimension_numbers<[1], [1], [0], [0], [0, 0, 1, 0], [], []>, precision = #tpu.contract_precision<fp32>, transpose_lhs_hint = false} : vector<1024x256xf32>, vector<256x256xf32>, vector<1024x256xf32> -> vector<1024x256xf32>
    %mul3A = arith.mulf %get3A_4, %get3A_4 : vector<1024x256xf32>
    %reduce_sum3A = arith.constant dense<0.000000e+00> : vector<1024xf32>
    %reduce_sum3A_6 = vector.multi_reduction <add>, %mul3A, %reduce_sum3A [1] : vector<1024x256xf32> to vector<1024xf32>
    %broadcast_in_dim3A = vector.shape_cast %reduce_sum3A_6 : vector<1024xf32> to vector<1024x1xf32>
    %mul3A_7 = arith.constant 2.000000e+00 : f32
    %mul3A_8 = vector.broadcast %mul3A_7 : f32 to vector<1024x256xf32>
    %mul3A_9 = arith.mulf %mul3A_8, %dot_general3A_5 : vector<1024x256xf32>
    %sub3A = vector.broadcast %broadcast_in_dim3A : vector<1024x1xf32> to vector<1024x256xf32>
    %sub3A_10 = arith.subf %sub3A, %mul3A_9 : vector<1024x256xf32>
    %reduce_min3A = arith.constant dense<0x7F800000> : vector<256xf32>
    %reduce_min3A_11 = vector.multi_reduction <minimumf>, %sub3A_10, %reduce_min3A [0] : vector<1024x256xf32> to vector<256xf32>
    %broadcast_in_dim3A_12 = vector.shape_cast %reduce_min3A_11 : vector<256xf32> to vector<1x256xf32>
    %iota3A = tpu.iota {dimensions = array<i32: 0>} : vector<1024x256xi32>
    %eq3A = vector.broadcast %broadcast_in_dim3A_12 : vector<1x256xf32> to vector<1024x256xf32>
    %eq3A_13 = arith.cmpf oeq, %sub3A_10, %eq3A : vector<1024x256xf32>
    %jit3A = arith.constant 1024 : i32
    %broadcast_in_dim3A_14 = vector.broadcast %jit3A : i32 to vector<1024x256xi32>
    %select_n3A = arith.select %eq3A_13, %iota3A, %broadcast_in_dim3A_14 : vector<1024x256xi1>, vector<1024x256xi32>
    %reduce_min3A_15 = arith.constant dense<2147483647> : vector<256xi32>
    %reduce_min3A_16 = vector.multi_reduction <minsi>, %select_n3A, %reduce_min3A_15 [0] : vector<1024x256xi32> to vector<256xi32>
    %broadcast_in_dim3A_17 = vector.shape_cast %reduce_min3A_16 : vector<256xi32> to vector<1x256xi32>
    %swap3A = arith.constant 0 : index
    %swap3A_18 = arith.constant 0 : index
    %swap3A_19 = vector.load %arg2[%swap3A, %swap3A_18] : memref<1x256xi32, #tpu.memory_space<vmem>>, vector<1x256xi32>
    tpu.vector_store %arg2[%swap3A, %swap3A_18], %broadcast_in_dim3A_17 {strides = array<i32>} : memref<1x256xi32, #tpu.memory_space<vmem>>, vector<1x256xi32>,
    return
  }
}

</mosaic_0001>

<sc_bundles>
// kernel: kernel.4.cloned.1.call-start
scs
__scs_entry_jumppad:
0x0: {  	(pc) =	sbr.rel $0x88, $3  }
0x1: {  	(tag) =	ssettag $0x0;
	lr =	simm.s32 $0x1  }
0x2: {  	[smem:$0x3F9E] =	sst lr;
	_ =	strace $0xD0000000  }
0x3: {  	_ = 	snop  }
0x4: {  	_ = 	snop  }
0x5: {  	_ = 	snop  }
0x6: {  	_ = 	snop  }
0x7: {  	_ = 	snop  }
__scs_overlays_trampoline_lowered:
0x8: {  	[smem:$0x3FAD] =	sst s0  }
0x9: {  	[smem:$0x3FAE] =	sst s1  }
0xa: {  	[smem:$0x3FAF] =	sst s2  }
0xb: {  	[smem:$0x3FB0] =	sst s3  }
0xc: {  	[smem:$0x3FB1] =	sst s4  }
0xd: {  	[smem:$0x3FB2] =	sst s5  }
0xe: {  	[smem:$0x3FB3] =	sst s6  }
0xf: {  	[smem:$0x3FB4] =	sst s7  }
0x10: {  	[smem:$0x3FB5] =	sst s8  }
0x11: {  	[smem:$0x3FB6] =	sst s9;
	s0 =	simm.s32 @!p0 $0x0  }
0x12: {  	s1 =	sld [smem:$0x3F9C];
	s0 =	simm.s32 @p0 $0x1  }
0x13: {  	[smem:$0x3FB7] =	sst s0;
	s0 =	simm.s32 @!p1 $0x0  }
0x14: {  	s2 =	sld [smem:$0x3F9B];
	s0 =	simm.s32 @p1 $0x1  }
0x15: {  	[smem:$0x3FB8] =	sst s0;
	s0 =	simm.s32 @!p2 $0x0  }
0x16: {  	s3 =	sld [smem:$0x3FDB];
	s0 =	simm.s32 @p2 $0x1  }
0x17: {  	s4 =	simm.s32 $0x1BF5;
	[smem:$0x3FBA] =	sst s0  }
0x18: {  	s0 =	sld [smem:$0x3F9D];
	_ =	swait.ge [sflag:s4], $0x0  }
0x19: {  	s7 =	sld [smem:$0x3F9E]  }
0x1a: {  	s8 =	sadd.s32 $0xFFFFE003, lr  }
0x1b: {  	s9 =	sadd.s32 $0xFFFFFEF7, lr;
	s5 =	simm.s32 $0xFFFFFFFF;
	p2 =	slt.u32 s8, $0xFFFFF086  }
0x1c: {  	p1 =	slt.u32 s9, $0xF7A;
	s5 =	simm.s32 @!p2 $0x0  }
0x1d: {  	s5 =	simm.s32 @p1 $0x1;
	p0 =	seq.s32 s7, s2  }
0x1e: {  	s7 =	smul.u32 @!p0 $0xF7A, s2;
	p2 =	seq.s32 @!p0 s5, $0x0  }
0x1f: {  	s9 =	smul.u32 $0xF7A, s1;
	s8 =	simm.s32 @!p0 $0x1BF5;
	p2 =	por !p2, p0  }
0x20: {  	[sflag:s8] =	ssyncset.s32 @!p0 $0xFFFFF086;
	s6 =	sadd.s32 @!p0 s3, s7;
	s7 =	simm.s32 @!p0 $0x108  }
0x21: {  	s3 =	sadd.s32 s3, s9;
	s6 =	sadd.s32 @!p0 $0x88, s6;
	s7 =	simm.s32 @p2 $0x1082  }
0x22: {  	[simem:s7], [sflag:s8] =	dma.local @!p0 [hbm:s6], $0xF7A  }
0x23: {  	s9 =	sor.u32 $0xD0000000, s2;
	s6 =	simm.s32 $0x108;
	_ =	swait.ge @!p0 [sflag:s8], $0x0  }
0x24: {  	s3 =	sadd.s32 $0x88, s3;
	s6 =	simm.s32 @!p1 $0x1082;
	[sflag:s4] =	ssyncset.s32 $0xFFFFF086  }
0x25: {  	[simem:s6], [sflag:s4] =	dma.local [hbm:s3], $0xF7A  }
0x26: {  	[smem:$0x3F9E] =	sst s1;
	(tag) =	ssettag s2;
	_ =	strace s9  }
0x27: {  	s1 =	sld [smem:$0x3FAE]  }
0x28: {  	s2 =	sld [smem:$0x3FAF]  }
0x29: {  	s4 =	sld [smem:$0x3FB1]  }
0x2a: {  	p0 =	seq.s32 s5, $0x0;
	s5 =	sld [smem:$0x3FB2]  }
0x2b: {  	s6 =	sld [smem:$0x3FB3]  }
0x2c: {  	s7 =	sld [smem:$0x3FB4]  }
0x2d: {  	s3 =	simm.s32 $0x108;
	s8 =	sld [smem:$0x3FB5]  }
0x2e: {  	s3 =	simm.s32 @!p0 $0x1082;
	s9 =	sld [smem:$0x3FB6]  }
0x2f: {  	lr =	sadd.s32 s0, s3;
	s0 =	sld [smem:$0x3FAD]  }
0x30: {  	s3 =	sld [smem:$0x3FB0]  }
0x31: {  	[smem:$0x3FB9] =	sst s10  }
0x32: {  	s10 =	sld [smem:$0x3FB7];
	_ =	sdelay $0x3  }
0x33: {  	p0 =	seq.s32 s10, $0x1;
	s10 =	sld [smem:$0x3FB9];
	_ =	sdelay $0x3  }
0x34: {  	[smem:$0x3FB9] =	sst s10  }
0x35: {  	s10 =	sld [smem:$0x3FB8];
	_ =	sdelay $0x3  }
0x36: {  	p1 =	seq.s32 s10, $0x1;
	s10 =	sld [smem:$0x3FB9];
	_ =	sdelay $0x3  }
0x37: {  	[smem:$0x3FB9] =	sst s10  }
0x38: {  	s10 =	sld [smem:$0x3FBA]  }
0x39: {  	_ = 	snop;
	(pc) =	sbr.ind lr, $3  }
0x3a: {  	_ = 	snop  }
0x3b: {  	_ = 	snop  }
0x3c: {  	p2 =	seq.s32 s10, $0x1;
	s10 =	sld [smem:$0x3FB9]  }
0x3d: {  	_ =	shalt  }
0x3e: {  	_ =	shalt  }
0x3f: {  	_ =	shalt  }
0x40: {  	_ =	shalt  }
0x41: {  	_ =	shalt  }
0x42: {  	_ =	shalt  }
0x43: {  	_ =	shalt  }
0x44: {  	_ =	shalt  }
0x45: {  	_ =	shalt  }
0x46: {  	_ =	shalt  }
0x47: {  	_ =	shalt  }
0x48: {  	_ =	shalt  }
0x49: {  	_ =	shalt  }
0x4a: {  	_ =	shalt  }
0x4b: {  	_ =	shalt  }
0x4c: {  	_ =	shalt  }
0x4d: {  	_ =	shalt  }
0x4e: {  	_ =	shalt  }
0x4f: {  	_ =	shalt  }
0x50: {  	_ =	shalt  }
0x51: {  	_ =	shalt  }
0x52: {  	_ =	shalt  }
0x53: {  	_ =	shalt  }
0x54: {  	_ =	shalt  }
0x55: {  	_ =	shalt  }
0x56: {  	_ =	shalt  }
0x57: {  	_ =	shalt  }
0x58: {  	_ =	shalt  }
0x59: {  	_ =	shalt  }
0x5a: {  	_ =	shalt  }
0x5b: {  	_ =	shalt  }
0x5c: {  	_ =	shalt  }
0x5d: {  	_ =	shalt  }
0x5e: {  	_ =	shalt  }
0x5f: {  	_ =	shalt  }
0x60: {  	_ =	shalt  }
0x61: {  	_ =	shalt  }
0x62: {  	_ =	shalt  }
0x63: {  	_ =	shalt  }
0x64: {  	_ =	shalt  }
0x65: {  	_ =	shalt  }
0x66: {  	_ =	shalt  }
0x67: {  	_ =	shalt  }
0x68: {  	_ =	shalt  }
0x69: {  	_ =	shalt  }
0x6a: {  	_ =	shalt  }
0x6b: {  	_ =	shalt  }
0x6c: {  	_ =	shalt  }
0x6d: {  	_ =	shalt  }
0x6e: {  	_ =	shalt  }
0x6f: {  	_ =	shalt  }
0x70: {  	_ =	shalt  }
0x71: {  	_ =	shalt  }
0x72: {  	_ =	shalt  }
0x73: {  	_ =	shalt  }
0x74: {  	_ =	shalt  }
0x75: {  	_ =	shalt  }
0x76: {  	_ =	shalt  }
0x77: {  	_ =	shalt  }
0x78: {  	_ =	shalt  }
0x79: {  	_ =	shalt  }
0x7a: {  	_ =	shalt  }
0x7b: {  	_ =	shalt  }
0x7c: {  	_ =	shalt  }
0x7d: {  	_ =	shalt  }
0x7e: {  	_ =	shalt  }
0x7f: {  	_ =	shalt  }
0x80: {  	_ =	shalt  }
0x81: {  	_ =	shalt  }
0x82: {  	_ =	shalt  }
0x83: {  	_ =	shalt  }
0x84: {  	_ =	shalt  }
0x85: {  	_ =	shalt  }
0x86: {  	_ =	shalt  }
0x87: {  	_ =	shalt  }
.Lfunc_end0:
.L_simem_size_0:
called_computation_lowered:
.L_overlay_start_0:
0x88: {  	s2 =	sld [smem:$0x3FD9]  }
0x89: {  	s3 =	sld [smem:$0x3FFE];
	_ =	sdelay $0x1  }
0x8a: {  	s1 =	srdreg.scid  }
0x8b: {  	s0 =	sand.u32 $0x1, s1  }
0x8c: {  	s17 =	sshll.u32 s0, $0xA;
	s2 =	sadd.s32 s3, s2  }
0x8d: {  	s2 =	sadd.s32 s2, s17  }
0x8e: {  	[smem:$0x3FC5] =	sst s2  }
0x8f: {  	_ = 	snop  }
0x90: {  	s2 =	sld [smem:$0x3FC8]  }
0x91: {  	s18 =	sld [smem:$0x3FD0];
	(tm) =	ssettm $0x1  }
0x92: {  	s4 =	sld [smem:$0x3FFB];
	_ =	sdelay $0x3  }
0x93: {  	_ =	strace s4  }
0x94: {  	s4 =	sld [smem:$0x3FFC];
	_ =	sdelay $0x3  }
0x95: {  	_ =	strace s4  }
0x96: {  	s4 =	sld [smem:$0x3FFD];
	_ =	sdelay $0x3  }
0x97: {  	_ =	strace s4  }
0x98: {  	_ =	strace $0x8FFFFFFF  }
0x99: {  	s19 =	sld [smem:$0x3FDB];
	_ =	sdelay $0x1  }
0x9a: {  	s5 =	simm.s32 $_scs_section_size  }
0x9b: {  	s6 =	simm.s32 $_size__tile_overlayer_lowered;
	s7 =	simm.s32 $_tile_overlayer_lowered  }
0x9c: {  	s22 =	simm.s32 $0x1BFF;
	s21 =	sshll.u32 s7, $0x1;
	s4 =	sadd.s32 s5, s19  }
0x9d: {  	s8 =	simm.s32 $0x0;
	s20 =	sshll.u32 s6, $0x1;
	s6 =	sadd.s32 s21, s4  }
0x9e: {  	[timem:s8], [sflag:s22] =	dma.local [hbm:s6], s20  }
0x9f: {  	_ =	swait.ge [sflag:s22], s20  }
0xa0: {  	s5 =	ssub.s32 $0x0, s20;
	[sflag:s22] =	ssyncset.done $0x0  }
0xa1: {  	[sflag:s22] =	ssyncadd.s32 s5;
	_ =	sdelay $0x1  }
0xa2: {  	s23 =	simm.s32 $0x1B8B  }
0xa3: {  	_ =	swait.ge [sflag:s23], $0x1  }
0xa4: {  	[sflag:s23] =	ssyncset.done $0x0  }
0xa5: {  	s25 =	simm.s32 $0x1B8E;
	s24 =	sld [smem:$0x3FFE];
	[sflag:s23] =	ssyncadd.s32 $0xFFFFFFFF  }
0xa6: {  	s26 =	simm.s32 $execute0_lowered;
	[smem:$0x3FD2] =	sst s25  }
0xa7: {  	s6 =	sshll.u32 s26, $0x1;
	_ =	strace $0x80000046;
	[dreg:$0x1] =	wrdreg $0xFFFFFFFF  }
0xa8: {  	s28 =	simm.s32 $_size_execute0_lowered;
	s4 =	sadd.s32 s4, s6;
	[dreg:$0x0] =	wrdreg $0x0  }
0xa9: {  	s6 =	sshll.u32 s28, $0x1;
	[dreg:$0x2] =	wrdreg s4  }
0xaa: {  	[dreg:$0x3] =	wrdreg s6  }
0xab: {  	[dreg:$0x4] =	wrdreg $0xC0  }
0xac: {  	_ =	task [dreg:s8], $0x5FFFF  }
0xad: {  	[dreg:$0x1] =	wrdreg $0xFFFFFFFF  }
0xae: {  	[dreg:$0x0] =	wrdreg $0x60  }
0xaf: {  	[dreg:$0x2] =	wrdreg s2  }
0xb0: {  	[dreg:$0x3] =	wrdreg s24  }
0xb1: {  	[dreg:$0x4] =	wrdreg s18  }
0xb2: {  	[dreg:$0x5] =	wrdreg $0x9  }
0xb3: {  	_ =	task.clear_ibuf [dreg:s8], $0x6FFFF;
	_ =	strace $0x90000046  }
0xb4: {  	s29 =	simm.s32 $0x9;
	_ =	strace $0x80000048  }
0xb5: {  	_ =	swait.ge [sflag:s29], $0x1  }
0xb6: {  	[sflag:s29] =	ssyncadd.s32 $0xFFFFFFFF  }
0xb7: {  	_ =	strace $0x90000048  }
0xb8: {  	_ =	sfence  }
0xb9: {  	s30 =	sld [smem:$0x0];
	_ =	sdelay $0x2  }
0xba: {  	s31 =	sshll.u32 s1, $0xD;
	s1 =	sshrl.u32 s1, $0x2  }
0xbb: {  	s3 =	sand.u32 $0x4000, s31;
	s1 =	sadd.s32 s1, s30  }
0xbc: {  	s0 =	sor.u32 s3, s0;
	s1 =	sshll.u32 s1, $0x11  }
0xbd: {  	s0 =	sor.u32 s1, s0  }
0xbe: {  	s0 =	sadd.s32 $0x8F2B, s0  }
0xbf: {  	[sflag:s0] =	ssyncadd.remote.s32 $0x1  }
0xc0: {  	_ =	sfence.sel $0xFFFF  }
0xc1: {  	[dreg:$0x0] =	wrdreg $0xFFFFFFFF;
	(pc) =	sbr.abs _section_cstart, $3  }
0xc2: {  	[dreg:$0x1] =	wrdreg $0xFFFFFFFF  }
0xc3: {  	_ =	task.clear_ibuf [dreg:s8], $0x2FFFF;
	_ =	strace $0x9FFFFFFF  }
0xc4: {  	(tm) =	ssettm $0x7FFFFFFF  }
0xc5: {  	_ =	shalt  }
tec
execute0_lowered:
.L_overlay_start_1:
0x0: {  	(tag) =	ssettag $0x1  }
0x1: {  	s1 =	rddreg [dreg:$0x0]  }
0x2: {  	s4 =	rddreg [dreg:$0x1]  }
0x3: {  	s6 =	rddreg [dreg:$0x2];
	s3 =	srdreg.scid  }
0x4: {  	s0 =	rddreg [dreg:$0x3];
	s2 =	stileid.u32  }
0x5: {  	s11 =	simm.s32 $0x2;
	s12 =	simm.s32 $0x1;
	s13 =	simm.s32 $0x0  }
0x6: {  	s5 =	sand.u32 $0x1, s3;
	s3 =	simm.s32 $0x0;
	s7 =	sshll.u32 s2, $0x4  }
0x7: {  	s8 =	sshll.u32 s5, $0x3;
	[smem:$0x7FF] =	sst s3;
	s5 =	ssub.s32 $0x2, s5  }
0x8: {  	s7 =	sor.u32 s8, s7;
	_ =	strace $0x80000047;
	s10 =	sshrl.u32 s5, $0x1  }
0x9: {  	s8 =	sshll.u32 s7, $0x5;
	s7 =	sshrl.u32 s7, $0x3;
	s10 =	ssub.s32 s5, s10  }
0xa: {  	v0 =	vlaneseq.u32;
	s9 =	sadd.s32 s8, s4;
	s7 =	sadd.s32 s7, s4;
	s6 =	sadd.s32 s6, s8  }
0xb: {  	v1 =	vshrl.u32 v0, $0x3;
	s8 =	simm.s32 $0x880;
	s4 =	sadd.s32 $0xE00, s9;
	s5 =	sadd.s32 $0xC00, s7  }
0xc: {  	vm0 =	vmmov $0xffff;
	v0 =	vand.u32 $0x7, v0;
	v1 =	vmul.u32 $0x8, v1;
	s7 =	smax.u32 s10, $0x1;
	s9 =	simm.s32 $0x3;
	s10 =	simm.s32 $0x80  }
.LBB2_1:
0xd: {  	[tilespmem:s8], [sflag:$0x2] =	stream.linear.gather [hbm4b:s4+s3], $0x800, $0x38;
	[tilespmem:$0x1080] =	vst v63  }
0xe: {  	_ = 	snop  }
0xf: {  	[tilespmem:s3], [sflag:$0x3] =	stream.linear.gather [hbm4b:s5+s3], $0x8, $0x38;
	[tilespmem:$0x1080] =	vst v63  }
0x10: {  	_ =	swait.ge [sflag:s9], $0x8  }
0x11: {  	[sflag:s9] =	ssyncset.done $0x0  }
0x12: {  	[sflag:s9] =	ssyncadd.s32 $0xFFFFFFF8  }
0x13: {  	v2 =	vld.msk [tilespmem:$0x0], $0xff;
	_ =	sdelay $0x4  }
0x14: {  	v3 =	vshll.u32 v2, $0x1  }
0x15: {  	v2 =	vand.u32 $0x7, v2;
	v3 =	vand.u32 $0xFFFFFFF0, v3  }
0x16: {  	v2 =	vor.u32 v2, v3  }
0x17: {  	v2 =	vperm.xlane v2, v0;
	_ =	sdelay $0x1  }
0x18: {  	v2 =	vadd.s32 v1, v2;
	_ =	sdelay $0x4  }
0x19: {  	[tilespmem:s10], [sflag:$0x1] =	stream.indirect_vreg.gather [hbm4b:s1+s3], $0x80, v2, vm0, $0xb8;
	[tilespmem:$0x1080] =	vst v63  }
0x1a: {  	_ =	swait.ge [sflag:s11], $0x800  }
0x1b: {  	[sflag:s11] =	ssyncset.done $0x0  }
0x1c: {  	[sflag:s11] =	ssyncadd.s32 $0xFFFFF800  }
0x1d: {  	_ =	swait.ge [sflag:s12], $0x800  }
0x1e: {  	s14 =	sand.u32 $0x70, s3;
	s15 =	sand.u32 $0x400, s3;
	[sflag:s12] =	ssyncset.done $0x0  }
0x1f: {  	s14 =	sor.u32 s14, s15;
	[sflag:s12] =	ssyncadd.s32 $0xFFFFF800  }
0x20: {  	v2 =	vld [tilespmem:s14+$0x880]  }
0x21: {  	v3 =	vld [tilespmem:s14+$0x80];
	_ =	sdelay $0x3  }
0x22: {  	s16 =	simm.s32 $0x10;
	s15 =	simm.s32 $0x80  }
0x23: {  	s16 =	sand.u32 $0x70, s16;
	s17 =	sand.u32 $0x400, s15;
	v2 =	vadd.f32 v2, v3  }
0x24: {  	s17 =	sor.u32 s16, s17;
	s16 =	simm.s32 $0x20  }
.LBB2_2:
0x25: {  	p0 =	sne.s32 s16, $0xF0;
	v3 =	vld [tilespmem:s17+$0x880];
	[tilespmem:s14+$0x80] =	vst v2;
	s14 =	smov.u32 s17  }
0x26: {  	v2 =	vld [tilespmem:s14+$0x80];
	_ =	sdelay $0x1  }
.Ltmp0:
0x27: {  	(pc) =	sbr.rel @p0 .LBB2_2-.Ltmp0, $4  }
0x28: {  	_ = 	snop  }
0x29: {  	s15 =	sadd.s32 $0x80, s15  }
0x2a: {  	s17 =	sand.u32 $0x70, s16;
	s18 =	sand.u32 $0x400, s15;
	v2 =	vadd.f32 v3, v2  }
0x2b: {  	s16 =	sadd.s32 $0x10, s16;
	s17 =	sor.u32 s17, s18  }
0x2c: {  	v3 =	vld [tilespmem:s17+$0x880];
	[tilespmem:s14+$0x80] =	vst v2  }
0x2d: {  	v2 =	vld [tilespmem:s17+$0x80];
	_ =	sdelay $0x3  }
0x2e: {  	s15 =	simm.s32 $0x0  }
0x2f: {  	s31 =	sand.u32 $0xFFFFFC00, s15;
	v2 =	vadd.f32 v3, v2  }
0x30: {  	s14 =	sadd.s32 $0x0, s31  }
0x31: {  	s16 =	sor.u32 $0x80, s14;
	[tilespmem:s17+$0x80] =	vst v2  }
0x32: {  	v2 =	vld [tilespmem:s16+$0x880]  }
0x33: {  	v3 =	vld [tilespmem:s16+$0x80];
	_ =	sdelay $0x2  }
0x34: {  	s14 =	simm.s32 $0x80  }
0x35: {  	s18 =	sand.u32 $0xFFFFFC00, s14  }
0x36: {  	s19 =	sadd.s32 $0x10, s18;
	s18 =	simm.s32 $0x100;
	s17 =	simm.s32 $0x10;
	v2 =	vadd.f32 v2, v3  }
.LBB2_4:
0x37: {  	p0 =	sne.s32 s18, $0x780;
	s19 =	sor.u32 $0x80, s19  }
0x38: {  	v3 =	vld [tilespmem:s19+$0x880];
	[tilespmem:s16+$0x80] =	vst v2;
	s16 =	smov.u32 s19  }
0x39: {  	v2 =	vld [tilespmem:s16+$0x80]  }
.Ltmp1:
0x3a: {  	(pc) =	sbr.rel @p0 .LBB2_4-.Ltmp1, $3  }
0x3b: {  	_ =	sdelay $0x1  }
0x3c: {  	s17 =	sadd.s32 $0x10, s17;
	s19 =	sand.u32 $0xFFFFFC00, s18  }
0x3d: {  	s18 =	sadd.s32 $0x80, s18;
	s19 =	sadd.s32 s19, s17;
	v2 =	vadd.f32 v3, v2  }
0x3e: {  	s17 =	sor.u32 $0x80, s19  }
0x3f: {  	v3 =	vld [tilespmem:s17+$0x880];
	[tilespmem:s16+$0x80] =	vst v2  }
0x40: {  	v2 =	vld [tilespmem:s17+$0x80];
	_ =	sdelay $0x4  }
0x41: {  	v2 =	vadd.f32 v3, v2  }
0x42: {  	s28 =	sand.u32 $0x70, s15;
	s29 =	sand.u32 $0x400, s15  }
0x43: {  	s15 =	sor.u32 s29, s28;
	[tilespmem:s17+$0x80] =	vst v2  }
0x44: {  	v2 =	vld [tilespmem:s15+$0x980]  }
0x45: {  	v3 =	vld [tilespmem:s15+$0x180];
	_ =	sdelay $0x3  }
0x46: {  	s30 =	simm.s32 $0x10  }
0x47: {  	s31 =	sand.u32 $0x400, s14;
	s16 =	sand.u32 $0x70, s30;
	v2 =	vadd.f32 v2, v3  }
0x48: {  	s17 =	sor.u32 s31, s16;
	s16 =	simm.s32 $0x20  }
.LBB2_6:
0x49: {  	p0 =	sne.s32 s16, $0xF0;
	v3 =	vld [tilespmem:s17+$0x980];
	[tilespmem:s15+$0x180] =	vst v2;
	s15 =	smov.u32 s17  }
0x4a: {  	v2 =	vld [tilespmem:s15+$0x180];
	_ =	sdelay $0x1  }
.Ltmp2:
0x4b: {  	(pc) =	sbr.rel @p0 .LBB2_6-.Ltmp2, $4  }
0x4c: {  	_ = 	snop  }
0x4d: {  	s14 =	sadd.s32 $0x80, s14  }
0x4e: {  	s17 =	sand.u32 $0x70, s16;
	s18 =	sand.u32 $0x400, s14;
	v2 =	vadd.f32 v3, v2  }
0x4f: {  	s16 =	sadd.s32 $0x10, s16;
	s17 =	sor.u32 s18, s17  }
0x50: {  	v3 =	vld [tilespmem:s17+$0x980];
	[tilespmem:s15+$0x180] =	vst v2  }
0x51: {  	v2 =	vld [tilespmem:s17+$0x180];
	_ =	sdelay $0x3  }
0x52: {  	s15 =	simm.s32 $0x0  }
0x53: {  	s14 =	sand.u32 $0xFFFFFC00, s15;
	v2 =	vadd.f32 v3, v2  }
0x54: {  	s14 =	sadd.s32 $0x0, s14  }
0x55: {  	s16 =	sor.u32 $0x180, s14;
	[tilespmem:s17+$0x180] =	vst v2  }
0x56: {  	v2 =	vld [tilespmem:s16+$0x880]  }
0x57: {  	v3 =	vld [tilespmem:s16+$0x80];
	_ =	sdelay $0x2  }
0x58: {  	s14 =	simm.s32 $0x80  }
0x59: {  	s18 =	sand.u32 $0xFFFFFC00, s14  }
0x5a: {  	s19 =	sadd.s32 $0x10, s18;
	s18 =	simm.s32 $0x100;
	s17 =	simm.s32 $0x10;
	v2 =	vadd.f32 v2, v3  }
.LBB2_8:
0x5b: {  	p0 =	sne.s32 s18, $0x780;
	s19 =	sor.u32 $0x180, s19  }
0x5c: {  	v3 =	vld [tilespmem:s19+$0x880];
	[tilespmem:s16+$0x80] =	vst v2;
	s16 =	smov.u32 s19  }
0x5d: {  	v2 =	vld [tilespmem:s16+$0x80]  }
.Ltmp3:
0x5e: {  	(pc) =	sbr.rel @p0 .LBB2_8-.Ltmp3, $3  }
0x5f: {  	_ =	sdelay $0x1  }
0x60: {  	s17 =	sadd.s32 $0x10, s17;
	s19 =	sand.u32 $0xFFFFFC00, s18  }
0x61: {  	s18 =	sadd.s32 $0x80, s18;
	s19 =	sadd.s32 s19, s17;
	v2 =	vadd.f32 v3, v2  }
0x62: {  	s17 =	sor.u32 $0x180, s19  }
0x63: {  	v3 =	vld [tilespmem:s17+$0x880];
	[tilespmem:s16+$0x80] =	vst v2  }
0x64: {  	v2 =	vld [tilespmem:s17+$0x80];
	_ =	sdelay $0x4  }
0x65: {  	v2 =	vadd.f32 v3, v2  }
0x66: {  	s28 =	sand.u32 $0x70, s15;
	s29 =	sand.u32 $0x400, s15  }
0x67: {  	s15 =	sor.u32 s29, s28;
	[tilespmem:s17+$0x80] =	vst v2  }
0x68: {  	v2 =	vld [tilespmem:s15+$0xA80]  }
0x69: {  	v3 =	vld [tilespmem:s15+$0x280];
	_ =	sdelay $0x3  }
0x6a: {  	s30 =	simm.s32 $0x10  }
0x6b: {  	s31 =	sand.u32 $0x400, s14;
	s16 =	sand.u32 $0x70, s30;
	v2 =	vadd.f32 v2, v3  }
0x6c: {  	s17 =	sor.u32 s31, s16;
	s16 =	simm.s32 $0x20  }
.LBB2_10:
0x6d: {  	p0 =	sne.s32 s16, $0xF0;
	v3 =	vld [tilespmem:s17+$0xA80];
	[tilespmem:s15+$0x280] =	vst v2;
	s15 =	smov.u32 s17  }
0x6e: {  	v2 =	vld [tilespmem:s15+$0x280];
	_ =	sdelay $0x1  }
.Ltmp4:
0x6f: {  	(pc) =	sbr.rel @p0 .LBB2_10-.Ltmp4, $4  }
0x70: {  	_ = 	snop  }
0x71: {  	s14 =	sadd.s32 $0x80, s14  }
0x72: {  	s17 =	sand.u32 $0x70, s16;
	s18 =	sand.u32 $0x400, s14;
	v2 =	vadd.f32 v3, v2  }
0x73: {  	s16 =	sadd.s32 $0x10, s16;
	s17 =	sor.u32 s18, s17  }
0x74: {  	v3 =	vld [tilespmem:s17+$0xA80];
	[tilespmem:s15+$0x280] =	vst v2  }
0x75: {  	v2 =	vld [tilespmem:s17+$0x280];
	_ =	sdelay $0x3  }
0x76: {  	s15 =	simm.s32 $0x0  }
0x77: {  	s14 =	sand.u32 $0xFFFFFC00, s15;
	v2 =	vadd.f32 v3, v2  }
0x78: {  	s14 =	sadd.s32 $0x0, s14  }
0x79: {  	s16 =	sor.u32 $0x280, s14;
	[tilespmem:s17+$0x280] =	vst v2  }
0x7a: {  	v2 =	vld [tilespmem:s16+$0x880]  }
0x7b: {  	v3 =	vld [tilespmem:s16+$0x80];
	_ =	sdelay $0x2  }
0x7c: {  	s14 =	simm.s32 $0x80  }
0x7d: {  	s18 =	sand.u32 $0xFFFFFC00, s14  }
0x7e: {  	s19 =	sadd.s32 $0x10, s18;
	s18 =	simm.s32 $0x100;
	s17 =	simm.s32 $0x10;
	v2 =	vadd.f32 v2, v3  }
.LBB2_12:
0x7f: {  	p0 =	sne.s32 s18, $0x780;
	s19 =	sor.u32 $0x280, s19  }
0x80: {  	v3 =	vld [tilespmem:s19+$0x880];
	[tilespmem:s16+$0x80] =	vst v2;
	s16 =	smov.u32 s19  }
0x81: {  	v2 =	vld [tilespmem:s16+$0x80]  }
.Ltmp5:
0x82: {  	(pc) =	sbr.rel @p0 .LBB2_12-.Ltmp5, $3  }
0x83: {  	_ =	sdelay $0x1  }
0x84: {  	s17 =	sadd.s32 $0x10, s17;
	s19 =	sand.u32 $0xFFFFFC00, s18  }
0x85: {  	s18 =	sadd.s32 $0x80, s18;
	s19 =	sadd.s32 s19, s17;
	v2 =	vadd.f32 v3, v2  }
0x86: {  	s17 =	sor.u32 $0x280, s19  }
0x87: {  	v3 =	vld [tilespmem:s17+$0x880];
	[tilespmem:s16+$0x80] =	vst v2  }
0x88: {  	v2 =	vld [tilespmem:s17+$0x80];
	_ =	sdelay $0x4  }
0x89: {  	v2 =	vadd.f32 v3, v2  }
0x8a: {  	s28 =	sand.u32 $0x70, s15;
	s29 =	sand.u32 $0x400, s15  }
0x8b: {  	s15 =	sor.u32 s29, s28;
	[tilespmem:s17+$0x80] =	vst v2  }
0x8c: {  	v2 =	vld [tilespmem:s15+$0xB80]  }
0x8d: {  	v3 =	vld [tilespmem:s15+$0x380];
	_ =	sdelay $0x3  }
0x8e: {  	s30 =	simm.s32 $0x10  }
0x8f: {  	s31 =	sand.u32 $0x400, s14;
	s16 =	sand.u32 $0x70, s30;
	v2 =	vadd.f32 v2, v3  }
0x90: {  	s17 =	sor.u32 s31, s16;
	s16 =	simm.s32 $0x20  }
.LBB2_14:
0x91: {  	p0 =	sne.s32 s16, $0xF0;
	v3 =	vld [tilespmem:s17+$0xB80];
	[tilespmem:s15+$0x380] =	vst v2;
	s15 =	smov.u32 s17  }
0x92: {  	v2 =	vld [tilespmem:s15+$0x380];
	_ =	sdelay $0x1  }
.Ltmp6:
0x93: {  	(pc) =	sbr.rel @p0 .LBB2_14-.Ltmp6, $4  }
0x94: {  	_ = 	snop  }
0x95: {  	s14 =	sadd.s32 $0x80, s14  }
0x96: {  	s17 =	sand.u32 $0x70, s16;
	s18 =	sand.u32 $0x400, s14;
	v2 =	vadd.f32 v3, v2  }
0x97: {  	s16 =	sadd.s32 $0x10, s16;
	s17 =	sor.u32 s18, s17  }
0x98: {  	v3 =	vld [tilespmem:s17+$0xB80];
	[tilespmem:s15+$0x380] =	vst v2  }
0x99: {  	v2 =	vld [tilespmem:s17+$0x380];
	_ =	sdelay $0x4  }
0x9a: {  	s14 =	simm.s32 $0x0;
	v2 =	vadd.f32 v3, v2  }
0x9b: {  	s14 =	sor.u32 s14, s14  }
0x9c: {  	s14 =	sor.u32 $0x380, s14;
	[tilespmem:s17+$0x380] =	vst v2  }
0x9d: {  	v2 =	vld [tilespmem:s14+$0x880]  }
0x9e: {  	v3 =	vld [tilespmem:s14+$0x80];
	_ =	sdelay $0x3  }
0x9f: {  	s16 =	simm.s32 $0x10;
	s15 =	simm.s32 $0x80  }
0xa0: {  	s16 =	sor.u32 s15, s16;
	v2 =	vadd.f32 v2, v3  }
0xa1: {  	s17 =	sor.u32 $0x380, s16;
	s16 =	simm.s32 $0x20  }
.LBB2_16:
0xa2: {  	p0 =	sne.s32 s16, $0xF0;
	v3 =	vld [tilespmem:s17+$0x880];
	[tilespmem:s14+$0x80] =	vst v2;
	s14 =	smov.u32 s17  }
0xa3: {  	v2 =	vld [tilespmem:s14+$0x80];
	_ =	sdelay $0x1  }
.Ltmp7:
0xa4: {  	(pc) =	sbr.rel @p0 .LBB2_16-.Ltmp7, $4  }
0xa5: {  	_ = 	snop  }
0xa6: {  	s15 =	sadd.s32 $0x80, s15  }
0xa7: {  	s17 =	sor.u32 s15, s16;
	v2 =	vadd.f32 v3, v2  }
0xa8: {  	s16 =	sadd.s32 $0x10, s16;
	s17 =	sor.u32 $0x380, s17  }
0xa9: {  	v3 =	vld [tilespmem:s17+$0x880];
	[tilespmem:s14+$0x80] =	vst v2  }
0xaa: {  	v2 =	vld [tilespmem:s17+$0x80];
	_ =	sdelay $0x4  }
0xab: {  	s13 =	sadd.s32 $0x1, s13;
	v2 =	vadd.f32 v3, v2  }
0xac: {  	p0 =	sne.s32 s13, s7  }
.Ltmp8:
0xad: {  	[tilespmem:s17+$0x80] =	vst v2;
	(pc) =	sbr.rel @p0 .LBB2_1-.Ltmp8, $4  }
0xae: {  	[hbm4b:s6+s3] =	stream.linear.scatter [tilespmem:s10], [sflag:$0x3], $0x800, $0x38;
	[tilespmem:$0x1080] =	vst v63  }
0xaf: {  	_ =	swait.ge [sflag:s9], $0x800  }
0xb0: {  	[sflag:s9] =	ssyncset.done $0x0  }
0xb1: {  	[sflag:s9] =	ssyncadd.s32 $0xFFFFF800  }
0xb2: {  	_ =	sfence.sel $0x180000  }
0xb3: {  	[bflag:$0x0] =	sbarrier.arrive $0xFFFF  }
0xb4: {  	p0 =	sne.s32 s2, $0x0;
	_ =	strace $0x90000047  }
0xb5: {  	s0 =	sadd.s32 @!p0 $0x100000, s0;
	[bflag:$0x2] =	sbarrier.arrive $0xFFFF  }
0xb6: {  	[sflag:s0] =	ssyncadd.tile.s32 @!p0 $0x1;
	_ =	shalt  }
.Lfunc_end2:
_tile_overlayer_lowered:
.L_overlay_start_2:
0xb7: {  	(tag) =	ssettag $0x2  }
0xb8: {  	s0 =	rddreg [dreg:$0x0];
	s2 =	stileid.u32  }
0xb9: {  	s1 =	rddreg [dreg:$0x1];
	p0 =	sne.s32 s2, $0x0  }
0xba: {  	s3 =	rddreg [dreg:$0x2];
	[bflag:$0x3] =	sbarrier.arrive $0xFFFF;
	s2 =	simm.s32 @!p0 $0x1C03  }
0xbb: {  	[timem:s3], [sflag:s2] =	dma.local @!p0 [hbm:s0], s1  }
0xbc: {  	s0 =	simm.s32 @!p0 $0x3  }
0xbd: {  	_ =	swait.ge @!p0 [sflag:s0], s1  }
0xbe: {  	s1 =	ssub.s32 @!p0 $0x0, s1;
	[sflag:s0] =	ssyncset.done @!p0 $0x0  }
0xbf: {  	[sflag:s0] =	ssyncadd.s32 @!p0 s1  }
0xc0: {  	[bflag:$0x3] =	sbarrier.arrive $0xFFFF  }
0xc1: {  	_ =	shalt  }

</sc_bundles>
